<compile_context>
chip_gen: v7x
topology: tpu7x:2x2x1
jax: 0.10.2.dev20260603
libtpu: 0.0.44.dev20260713+nightly
codegen_flags: <defaults>
</compile_context>

<pallas_src>
import functools

import jax
import jax.numpy as jnp
from jax import lax
from jax.experimental import pallas as pl
from jax.experimental.pallas import tpu as pltpu
from jax.experimental.pallas import tpu_sc as plsc

_SHAPE = (64, 128)
_N = _SHAPE[0] * _SHAPE[1]
_NC, _NS, _L = 2, 16, 16
_NW = _NC * _NS
_SEG = _N // _NW
_CHUNKS = _SEG // _L

_BETA = 0.9



def _tc_body(spk_ref, x_ref, act_ref, gain_ref, thr_ref, out_ref, cnt_ref,
             spk32_ref):
    gg = gain_ref[...]
    ig = gg + (1.0 - gg) * 0.2
    act = _BETA * act_ref[...] + x_ref[...] * ig + 0.05
    out_ref[...] = act > thr_ref[...]
    si = spk_ref[...].astype(jnp.int32)
    spk32_ref[...] = si
    cnt_ref[0, 0] = jnp.sum(si)


_tc_kernel = pl.pallas_call(
    _tc_body,
    out_shape=(
        jax.ShapeDtypeStruct(_SHAPE, jnp.bool_),
        jax.ShapeDtypeStruct((1, 1), jnp.int32),
        jax.ShapeDtypeStruct(_SHAPE, jnp.int32),
    ),
    out_specs=(
        pl.BlockSpec(memory_space=pltpu.VMEM),
        pl.BlockSpec(memory_space=pltpu.SMEM),
        pl.BlockSpec(memory_space=pltpu.VMEM),
    ),
)



def _sc_body(sw_hbm, x_hbm, act_hbm, gain_hbm, thr_hbm, w_hbm, out_hbm,
             sp_v, row_v, acc_v, x_v, a_v, g_v, t_v, o_v, sem, sem2):
    wid = lax.axis_index("s") * _NC + lax.axis_index("c")
    base = wid * _SEG

    pltpu.sync_copy(sw_hbm, sp_v.at[pl.ds(0, _N)])
    cx = pltpu.async_copy(x_hbm.at[pl.ds(base, _SEG)], x_v, sem2)
    ca = pltpu.async_copy(act_hbm.at[pl.ds(base, _SEG)], a_v, sem2)
    cg = pltpu.async_copy(gain_hbm.at[pl.ds(base, _SEG)], g_v, sem2)
    ct = pltpu.async_copy(thr_hbm.at[pl.ds(base, _SEG)], t_v, sem2)

    def zero_body(k, c):
        acc_v[pl.ds(k * _L, _L)] = jnp.zeros((_L,), jnp.float32)
        return c

    lax.fori_loop(0, _CHUNKS, zero_body, 0)

    def row_body(r, carry):
        s = sp_v[pl.ds(r, _L)][0]

        @pl.when(s != 0)
        def _():
            pltpu.sync_copy(w_hbm.at[r, pl.ds(base, _SEG)], row_v)

            def add_chunk(k, cc):
                sl = pl.ds(k * _L, _L)
                acc_v[sl] = acc_v[sl] + row_v[sl]
                return cc
            lax.fori_loop(0, _CHUNKS, add_chunk, 0)
        return carry

    lax.fori_loop(0, _N, row_body, 0)

    cx.wait()
    ca.wait()
    cg.wait()
    ct.wait()

    def ew_body(k, c):
        sl = pl.ds(k * _L, _L)
        gg = g_v[sl]
        ig = gg + (1.0 - gg) * 0.2
        act = _BETA * a_v[sl] + (x_v[sl] + acc_v[sl]) * ig + 0.05
        o_v[sl] = jnp.where(act > t_v[sl], 1.0, 0.0)
        return c

    lax.fori_loop(0, _CHUNKS, ew_body, 0)
    pltpu.sync_copy(o_v, out_hbm.at[pl.ds(base, _SEG)])


_sc_kernel = functools.partial(
    pl.kernel,
    out_type=jax.ShapeDtypeStruct((_N,), jnp.float32),
    mesh=plsc.VectorSubcoreMesh(core_axis_name="c", subcore_axis_name="s",
                                num_cores=_NC, num_subcores=_NS),
    scratch_types=[
        pltpu.VMEM((_N + _L,), jnp.int32),
        pltpu.VMEM((_SEG,), jnp.float32),
        pltpu.VMEM((_SEG,), jnp.float32),
        pltpu.VMEM((_SEG,), jnp.float32),
        pltpu.VMEM((_SEG,), jnp.float32),
        pltpu.VMEM((_SEG,), jnp.float32),
        pltpu.VMEM((_SEG,), jnp.float32),
        pltpu.VMEM((_SEG,), jnp.float32),
        pltpu.SemaphoreType.DMA,
        pltpu.SemaphoreType.DMA,
    ],
)(_sc_body)


def kernel(x, activation, input_gain, threshold, freq_act, lateral_weights,
           spikes):
    del freq_act

    out0, nspk, spk32 = _tc_kernel(spikes, x, activation, input_gain,
                                   threshold)

    def spike_branch(_):
        sw = spk32.reshape(_N)
        out = _sc_kernel(sw, x.reshape(_N), activation.reshape(_N),
                         input_gain.reshape(_N), threshold.reshape(_N),
                         lateral_weights)
        return out.reshape(_SHAPE) != 0.0

    def empty_branch(_):
        return out0

    return lax.cond(nspk[0, 0] > 0, spike_branch, empty_branch, 0)

# --- scband reference (transcript-rebuilt; emitter-appended) ---
"""Pipeline reference for scband-ensemble-23922967839455 (READ-ONLY COPY).

The authoritative reference and input builder live on the scoring server;
editing this copy changes nothing except your own understanding.
"""

import jax, jax.numpy as jnp
import numpy as np

SHAPE = (64, 128)
BETA = 0.9
BASE_THRESHOLD = 1.0
TARGET_FREQUENCY = 0.1
REFRACTORY_INPUT_GAIN = -0.3
FREQ_BETA = 0.95


def setup_inputs(seed: int = 0) -> dict:
    key = jax.random.key(seed)
    x = jax.random.normal(key, SHAPE, dtype=jnp.float32)
    n = SHAPE[0] * SHAPE[1]
    return {
        "x": x,
        "activation": jnp.zeros(SHAPE, jnp.float32),
        "input_gain": jnp.ones(SHAPE, jnp.float32),
        "threshold": jnp.ones(SHAPE, jnp.float32) * BASE_THRESHOLD,
        "freq_act": jnp.zeros(SHAPE, jnp.float32),
        "lateral_weights": jnp.zeros((n, n), jnp.float32),
        "spikes": jnp.zeros(SHAPE, dtype=bool),
    }


def reference(x, activation, input_gain, threshold, freq_act, lateral_weights, spikes):
    # input gain recovery toward 1.0
    input_gain = input_gain + (1.0 - input_gain) * 0.2
    # lateral input: sum of lateral_weights rows selected by previous spikes
    # lateral_weights[spikes.view(-1), :].sum(dim=0) == spikes_flat @ lateral_weights
    spikes_flat = spikes.reshape(-1).astype(jnp.float32)
    lateral_input = (spikes_flat @ lateral_weights).reshape(SHAPE)
    x = x + lateral_input
    # leaky integration
    activation = BETA * activation + x * input_gain + 0.05
    new_spikes = activation > threshold
    # running average of spike frequency (RunningAverage, beta=0.95)
    freq_act = FREQ_BETA * freq_act + (1.0 - FREQ_BETA) * new_spikes.astype(jnp.float32)
    # auto gain control on threshold
    threshold = jnp.where(freq_act > TARGET_FREQUENCY, threshold + 0.05, threshold)
    threshold = jnp.where(freq_act < TARGET_FREQUENCY, threshold / 1.05, threshold)
    # refractory input gain (masked scatter)
    input_gain = jnp.where(new_spikes, REFRACTORY_INPUT_GAIN, input_gain)
    # reset mechanism 'zero' (masked scatter)
    activation = jnp.where(new_spikes, 0.0, activation)
    return new_spikes

if __name__ == "__main__":
    import jax
    _d = setup_inputs()
    print(jax.jit(kernel)(*tuple(_d.values())))

</pallas_src>

<mosaic_0001>
#map = affine_map<(d0, d1) -> (0)>
#map1 = affine_map<(d0, d1) -> (0, 0)>
module attributes {stable_mosaic.version = 14 : i64} {
  func.func @_sc_body(%arg0: i32, %arg1: i32, %arg2: memref<8192xi32, #tpu.memory_space<hbm>>, %arg3: memref<8192xf32, #tpu.memory_space<hbm>>, %arg4: memref<8192xf32, #tpu.memory_space<hbm>>, %arg5: memref<8192xf32, #tpu.memory_space<hbm>>, %arg6: memref<8192xf32, #tpu.memory_space<hbm>>, %arg7: memref<8192x8192xf32, #tpu.memory_space<hbm>>, %arg8: memref<8192xf32, #tpu.memory_space<hbm>>, %arg9: memref<8208xi32, #tpu.memory_space<vmem>>, %arg10: memref<256xf32, #tpu.memory_space<vmem>>, %arg11: memref<256xf32, #tpu.memory_space<vmem>>, %arg12: memref<256xf32, #tpu.memory_space<vmem>>, %arg13: memref<256xf32, #tpu.memory_space<vmem>>, %arg14: memref<256xf32, #tpu.memory_space<vmem>>, %arg15: memref<256xf32, #tpu.memory_space<vmem>>, %arg16: memref<256xf32, #tpu.memory_space<vmem>>, %arg17: memref<!tpu.dma_semaphore, #tpu.memory_space<semaphore_mem>>, %arg18: memref<!tpu.dma_semaphore, #tpu.memory_space<semaphore_mem>>) attributes {dimension_semantics = [#tpu.dimension_semantics<core_parallel>, #tpu.dimension_semantics<subcore_parallel>], iteration_bounds = array<i64: 2, 16>, scalar_prefetch = 0 : i64, scratch_operands = 10 : i64, tpu.core_type = #tpu.core_type<sc_vector_subcore>, window_params = [{transform_indices = #map}, {transform_indices = #map}, {transform_indices = #map}, {transform_indices = #map}, {transform_indices = #map}, {transform_indices = #map1}, {transform_indices = #map}]} {
    %mul3A = arith.constant 2 : i32
    %mul3A_0 = arith.muli %arg1, %mul3A : i32
    %add3A = arith.addi %mul3A_0, %arg0 : i32
    %mul3A_1 = arith.constant 256 : i32
    %mul3A_2 = arith.muli %add3A, %mul3A_1 : i32
    "tpu.region"() ({
      %run_scoped3A = tpu.sem_alloc : memref<!tpu.dma_semaphore, #tpu.memory_space<semaphore_mem>>
      %dma_start3A_34 = arith.constant 0 : i32
      %dma_start3A_35 = tpu.memref_slice %arg9[%dma_start3A_34] : memref<8208xi32, #tpu.memory_space<vmem>> -> memref<8192xi32, #tpu.memory_space<vmem>>
      %dma_start3A_36 = arith.constant 0 : i32
      %dma_start3A_37 = tpu.memref_slice %arg9[%dma_start3A_36] : memref<8208xi32, #tpu.memory_space<vmem>> -> memref<8192xi32, #tpu.memory_space<vmem>>
      tpu.enqueue_dma source(%arg2 : memref<8192xi32, #tpu.memory_space<hbm>>) target(%dma_start3A_37 : memref<8192xi32, #tpu.memory_space<vmem>>) target_semaphore(%run_scoped3A : memref<!tpu.dma_semaphore, #tpu.memory_space<semaphore_mem>>)
      %dma_wait3A_38 = arith.constant 0 : i32
      %dma_wait3A_39 = tpu.memref_slice %arg9[%dma_wait3A_38] : memref<8208xi32, #tpu.memory_space<vmem>> -> memref<8192xi32, #tpu.memory_space<vmem>>
      %dma_wait3A_40 = arith.constant 0 : i32
      %dma_wait3A_41 = tpu.memref_slice %arg9[%dma_wait3A_40] : memref<8208xi32, #tpu.memory_space<vmem>> -> memref<8192xi32, #tpu.memory_space<vmem>>
      tpu.wait_dma2 semaphore(%run_scoped3A : memref<!tpu.dma_semaphore, #tpu.memory_space<semaphore_mem>>) src(%arg2 : memref<8192xi32, #tpu.memory_space<hbm>>) dst(%dma_wait3A_41 : memref<8192xi32, #tpu.memory_space<vmem>>)
      tpu.yield
    }) : () -> ()
    %dma_start3A = tpu.memref_slice %arg3[%mul3A_2] : memref<8192xf32, #tpu.memory_space<hbm>> -> memref<256xf32, #tpu.memory_space<hbm>>
    %dma_start3A_3 = tpu.memref_slice %arg3[%mul3A_2] : memref<8192xf32, #tpu.memory_space<hbm>> -> memref<256xf32, #tpu.memory_space<hbm>>
    tpu.enqueue_dma source(%dma_start3A_3 : memref<256xf32, #tpu.memory_space<hbm>>) target(%arg12 : memref<256xf32, #tpu.memory_space<vmem>>) target_semaphore(%arg18 : memref<!tpu.dma_semaphore, #tpu.memory_space<semaphore_mem>>)
    %dma_start3A_4 = tpu.memref_slice %arg4[%mul3A_2] : memref<8192xf32, #tpu.memory_space<hbm>> -> memref<256xf32, #tpu.memory_space<hbm>>
    %dma_start3A_5 = tpu.memref_slice %arg4[%mul3A_2] : memref<8192xf32, #tpu.memory_space<hbm>> -> memref<256xf32, #tpu.memory_space<hbm>>
    tpu.enqueue_dma source(%dma_start3A_5 : memref<256xf32, #tpu.memory_space<hbm>>) target(%arg13 : memref<256xf32, #tpu.memory_space<vmem>>) target_semaphore(%arg18 : memref<!tpu.dma_semaphore, #tpu.memory_space<semaphore_mem>>)
    %dma_start3A_6 = tpu.memref_slice %arg5[%mul3A_2] : memref<8192xf32, #tpu.memory_space<hbm>> -> memref<256xf32, #tpu.memory_space<hbm>>
    %dma_start3A_7 = tpu.memref_slice %arg5[%mul3A_2] : memref<8192xf32, #tpu.memory_space<hbm>> -> memref<256xf32, #tpu.memory_space<hbm>>
    tpu.enqueue_dma source(%dma_start3A_7 : memref<256xf32, #tpu.memory_space<hbm>>) target(%arg14 : memref<256xf32, #tpu.memory_space<vmem>>) target_semaphore(%arg18 : memref<!tpu.dma_semaphore, #tpu.memory_space<semaphore_mem>>)
    %dma_start3A_8 = tpu.memref_slice %arg6[%mul3A_2] : memref<8192xf32, #tpu.memory_space<hbm>> -> memref<256xf32, #tpu.memory_space<hbm>>
    %dma_start3A_9 = tpu.memref_slice %arg6[%mul3A_2] : memref<8192xf32, #tpu.memory_space<hbm>> -> memref<256xf32, #tpu.memory_space<hbm>>
    tpu.enqueue_dma source(%dma_start3A_9 : memref<256xf32, #tpu.memory_space<hbm>>) target(%arg15 : memref<256xf32, #tpu.memory_space<vmem>>) target_semaphore(%arg18 : memref<!tpu.dma_semaphore, #tpu.memory_space<semaphore_mem>>)
    %scan3A = arith.constant 0 : i32
    %scan3A_10 = arith.constant 0 : i32
    %scan3A_11 = arith.constant 16 : i32
    %scan3A_12 = arith.addi %scan3A_10, %scan3A_11 : i32
    %scan3A_13 = arith.constant 1 : i32
    scf.for %scan3A_34 = %scan3A_10 to %scan3A_12 step %scan3A_13  : i32 {
      %broadcast_in_dim3A = arith.constant 0.000000e+00 : f32
      %broadcast_in_dim3A_35 = vector.broadcast %broadcast_in_dim3A : f32 to vector<16xf32>
      %mul3A_36 = arith.constant 16 : i32
      %mul3A_37 = arith.muli %scan3A_34, %mul3A_36 : i32
      %swap3A = arith.index_cast %mul3A_37 : i32 to index
      %swap3A_38 = tpu.vector_load %arg11[%swap3A] {strides = array<i32>} : memref<256xf32, #tpu.memory_space<vmem>>, vector<16xf32>,
      %swap3A_39 = vector.shape_cast %swap3A_38 : vector<16xf32> to vector<16xf32>
      %swap3A_40 = vector.shape_cast %broadcast_in_dim3A_35 : vector<16xf32> to vector<16xf32>
      tpu.vector_store %arg11[%swap3A], %swap3A_40 {strides = array<i32>} : memref<256xf32, #tpu.memory_space<vmem>>, vector<16xf32>,
    }
    %scan3A_14 = arith.constant 16 : i32
    %scan3A_15 = arith.constant 0 : i32
    %scan3A_16 = arith.constant 0 : i32
    %scan3A_17 = arith.constant 8192 : i32
    %scan3A_18 = arith.addi %scan3A_16, %scan3A_17 : i32
    %scan3A_19 = arith.constant 1 : i32
    scf.for %scan3A_34 = %scan3A_16 to %scan3A_18 step %scan3A_19  : i32 {
      %get3A = arith.index_cast %scan3A_34 : i32 to index
      %get3A_35 = tpu.vector_load %arg9[%get3A] {strides = array<i32>} : memref<8208xi32, #tpu.memory_space<vmem>>, vector<16xi32>,
      %get3A_36 = vector.shape_cast %get3A_35 : vector<16xi32> to vector<16xi32>
      %slice3A = vector.extract_strided_slice %get3A_36 {offsets = [0], sizes = [1], strides = [1]} : vector<16xi32> to vector<1xi32>
      %squeeze3A = vector.extract %slice3A[0] : i32 from vector<1xi32>
      %ne3A = arith.constant 0 : i32
      %ne3A_37 = arith.cmpi ne, %squeeze3A, %ne3A : i32
      %convert_element_type3A = arith.extui %ne3A_37 : i1 to i32
      %cond3A = arith.constant 0 : i32
      %cond3A_38 = arith.cmpi ne, %convert_element_type3A, %cond3A : i32
      scf.if %cond3A_38 {
        "tpu.region"() ({
          %run_scoped3A = tpu.sem_alloc : memref<!tpu.dma_semaphore, #tpu.memory_space<semaphore_mem>>
          %dma_start3A_45 = tpu.memref_slice %arg7[%scan3A_34, %mul3A_2] : memref<8192x8192xf32, #tpu.memory_space<hbm>> -> memref<1x256xf32, #tpu.memory_space<hbm>>
          %dma_start3A_46 = tpu.memref_squeeze %dma_start3A_45 : memref<1x256xf32, #tpu.memory_space<hbm>> -> memref<256xf32, #tpu.memory_space<hbm>>
          %dma_start3A_47 = tpu.memref_slice %arg7[%scan3A_34, %mul3A_2] : memref<8192x8192xf32, #tpu.memory_space<hbm>> -> memref<1x256xf32, #tpu.memory_space<hbm>>
          %dma_start3A_48 = tpu.memref_squeeze %dma_start3A_47 : memref<1x256xf32, #tpu.memory_space<hbm>> -> memref<256xf32, #tpu.memory_space<hbm>>
          tpu.enqueue_dma source(%dma_start3A_48 : memref<256xf32, #tpu.memory_space<hbm>>) target(%arg10 : memref<256xf32, #tpu.memory_space<vmem>>) target_semaphore(%run_scoped3A : memref<!tpu.dma_semaphore, #tpu.memory_space<semaphore_mem>>)
          %dma_wait3A_49 = tpu.memref_slice %arg7[%scan3A_34, %mul3A_2] : memref<8192x8192xf32, #tpu.memory_space<hbm>> -> memref<1x256xf32, #tpu.memory_space<hbm>>
          %dma_wait3A_50 = tpu.memref_squeeze %dma_wait3A_49 : memref<1x256xf32, #tpu.memory_space<hbm>> -> memref<256xf32, #tpu.memory_space<hbm>>
          %dma_wait3A_51 = tpu.memref_slice %arg7[%scan3A_34, %mul3A_2] : memref<8192x8192xf32, #tpu.memory_space<hbm>> -> memref<1x256xf32, #tpu.memory_space<hbm>>
          %dma_wait3A_52 = tpu.memref_squeeze %dma_wait3A_51 : memref<1x256xf32, #tpu.memory_space<hbm>> -> memref<256xf32, #tpu.memory_space<hbm>>
          tpu.wait_dma2 semaphore(%run_scoped3A : memref<!tpu.dma_semaphore, #tpu.memory_space<semaphore_mem>>) src(%dma_wait3A_52 : memref<256xf32, #tpu.memory_space<hbm>>) dst(%arg10 : memref<256xf32, #tpu.memory_space<vmem>>)
          tpu.yield
        }) : () -> ()
        %scan3A_39 = arith.constant 0 : i32
        %scan3A_40 = arith.constant 0 : i32
        %scan3A_41 = arith.constant 16 : i32
        %scan3A_42 = arith.addi %scan3A_40, %scan3A_41 : i32
        %scan3A_43 = arith.constant 1 : i32
        scf.for %scan3A_45 = %scan3A_40 to %scan3A_42 step %scan3A_43  : i32 {
          %mul3A_46 = arith.constant 16 : i32
          %mul3A_47 = arith.muli %scan3A_45, %mul3A_46 : i32
          %get3A_48 = arith.index_cast %mul3A_47 : i32 to index
          %get3A_49 = tpu.vector_load %arg11[%get3A_48] {strides = array<i32>} : memref<256xf32, #tpu.memory_space<vmem>>, vector<16xf32>,
          %get3A_50 = vector.shape_cast %get3A_49 : vector<16xf32> to vector<16xf32>
          %get3A_51 = arith.index_cast %mul3A_47 : i32 to index
          %get3A_52 = tpu.vector_load %arg10[%get3A_51] {strides = array<i32>} : memref<256xf32, #tpu.memory_space<vmem>>, vector<16xf32>,
          %get3A_53 = vector.shape_cast %get3A_52 : vector<16xf32> to vector<16xf32>
          %add3A_54 = arith.addf %get3A_50, %get3A_53 : vector<16xf32>
          %swap3A = arith.index_cast %mul3A_47 : i32 to index
          %swap3A_55 = tpu.vector_load %arg11[%swap3A] {strides = array<i32>} : memref<256xf32, #tpu.memory_space<vmem>>, vector<16xf32>,
          %swap3A_56 = vector.shape_cast %swap3A_55 : vector<16xf32> to vector<16xf32>
          %swap3A_57 = vector.shape_cast %add3A_54 : vector<16xf32> to vector<16xf32>
          tpu.vector_store %arg11[%swap3A], %swap3A_57 {strides = array<i32>} : memref<256xf32, #tpu.memory_space<vmem>>, vector<16xf32>,
        }
        %scan3A_44 = arith.constant 16 : i32
      } else {
      }
    }
    %scan3A_20 = arith.constant 8192 : i32
    %dma_wait3A = tpu.memref_slice %arg3[%mul3A_2] : memref<8192xf32, #tpu.memory_space<hbm>> -> memref<256xf32, #tpu.memory_space<hbm>>
    %dma_wait3A_21 = tpu.memref_slice %arg3[%mul3A_2] : memref<8192xf32, #tpu.memory_space<hbm>> -> memref<256xf32, #tpu.memory_space<hbm>>
    tpu.wait_dma2 semaphore(%arg18 : memref<!tpu.dma_semaphore, #tpu.memory_space<semaphore_mem>>) src(%dma_wait3A_21 : memref<256xf32, #tpu.memory_space<hbm>>) dst(%arg12 : memref<256xf32, #tpu.memory_space<vmem>>)
    %dma_wait3A_22 = tpu.memref_slice %arg4[%mul3A_2] : memref<8192xf32, #tpu.memory_space<hbm>> -> memref<256xf32, #tpu.memory_space<hbm>>
    %dma_wait3A_23 = tpu.memref_slice %arg4[%mul3A_2] : memref<8192xf32, #tpu.memory_space<hbm>> -> memref<256xf32, #tpu.memory_space<hbm>>
    tpu.wait_dma2 semaphore(%arg18 : memref<!tpu.dma_semaphore, #tpu.memory_space<semaphore_mem>>) src(%dma_wait3A_23 : memref<256xf32, #tpu.memory_space<hbm>>) dst(%arg13 : memref<256xf32, #tpu.memory_space<vmem>>)
    %dma_wait3A_24 = tpu.memref_slice %arg5[%mul3A_2] : memref<8192xf32, #tpu.memory_space<hbm>> -> memref<256xf32, #tpu.memory_space<hbm>>
    %dma_wait3A_25 = tpu.memref_slice %arg5[%mul3A_2] : memref<8192xf32, #tpu.memory_space<hbm>> -> memref<256xf32, #tpu.memory_space<hbm>>
    tpu.wait_dma2 semaphore(%arg18 : memref<!tpu.dma_semaphore, #tpu.memory_space<semaphore_mem>>) src(%dma_wait3A_25 : memref<256xf32, #tpu.memory_space<hbm>>) dst(%arg14 : memref<256xf32, #tpu.memory_space<vmem>>)
    %dma_wait3A_26 = tpu.memref_slice %arg6[%mul3A_2] : memref<8192xf32, #tpu.memory_space<hbm>> -> memref<256xf32, #tpu.memory_space<hbm>>
    %dma_wait3A_27 = tpu.memref_slice %arg6[%mul3A_2] : memref<8192xf32, #tpu.memory_space<hbm>> -> memref<256xf32, #tpu.memory_space<hbm>>
    tpu.wait_dma2 semaphore(%arg18 : memref<!tpu.dma_semaphore, #tpu.memory_space<semaphore_mem>>) src(%dma_wait3A_27 : memref<256xf32, #tpu.memory_space<hbm>>) dst(%arg15 : memref<256xf32, #tpu.memory_space<vmem>>)
    %scan3A_28 = arith.constant 0 : i32
    %scan3A_29 = arith.constant 0 : i32
    %scan3A_30 = arith.constant 16 : i32
    %scan3A_31 = arith.addi %scan3A_29, %scan3A_30 : i32
    %scan3A_32 = arith.constant 1 : i32
    scf.for %scan3A_34 = %scan3A_29 to %scan3A_31 step %scan3A_32  : i32 {
      %mul3A_35 = arith.constant 16 : i32
      %mul3A_36 = arith.muli %scan3A_34, %mul3A_35 : i32
      %get3A = arith.index_cast %mul3A_36 : i32 to index
      %get3A_37 = tpu.vector_load %arg14[%get3A] {strides = array<i32>} : memref<256xf32, #tpu.memory_space<vmem>>, vector<16xf32>,
      %get3A_38 = vector.shape_cast %get3A_37 : vector<16xf32> to vector<16xf32>
      %sub3A = arith.constant 1.000000e+00 : f32
      %sub3A_39 = vector.broadcast %sub3A : f32 to vector<16xf32>
      %sub3A_40 = arith.subf %sub3A_39, %get3A_38 : vector<16xf32>
      %mul3A_41 = arith.constant 2.000000e-01 : f32
      %mul3A_42 = vector.broadcast %mul3A_41 : f32 to vector<16xf32>
      %mul3A_43 = arith.mulf %sub3A_40, %mul3A_42 : vector<16xf32>
      %add3A_44 = arith.addf %get3A_38, %mul3A_43 : vector<16xf32>
      %get3A_45 = arith.index_cast %mul3A_36 : i32 to index
      %get3A_46 = tpu.vector_load %arg13[%get3A_45] {strides = array<i32>} : memref<256xf32, #tpu.memory_space<vmem>>, vector<16xf32>,
      %get3A_47 = vector.shape_cast %get3A_46 : vector<16xf32> to vector<16xf32>
      %mul3A_48 = arith.constant 0.899999976 : f32
      %mul3A_49 = vector.broadcast %mul3A_48 : f32 to vector<16xf32>
      %mul3A_50 = arith.mulf %mul3A_49, %get3A_47 : vector<16xf32>
      %get3A_51 = arith.index_cast %mul3A_36 : i32 to index
      %get3A_52 = tpu.vector_load %arg12[%get3A_51] {strides = array<i32>} : memref<256xf32, #tpu.memory_space<vmem>>, vector<16xf32>,
      %get3A_53 = vector.shape_cast %get3A_52 : vector<16xf32> to vector<16xf32>
      %get3A_54 = arith.index_cast %mul3A_36 : i32 to index
      %get3A_55 = tpu.vector_load %arg11[%get3A_54] {strides = array<i32>} : memref<256xf32, #tpu.memory_space<vmem>>, vector<16xf32>,
      %get3A_56 = vector.shape_cast %get3A_55 : vector<16xf32> to vector<16xf32>
      %add3A_57 = arith.addf %get3A_53, %get3A_56 : vector<16xf32>
      %mul3A_58 = arith.mulf %add3A_57, %add3A_44 : vector<16xf32>
      %add3A_59 = arith.addf %mul3A_50, %mul3A_58 : vector<16xf32>
      %add3A_60 = arith.constant 5.000000e-02 : f32
      %add3A_61 = vector.broadcast %add3A_60 : f32 to vector<16xf32>
      %add3A_62 = arith.addf %add3A_59, %add3A_61 : vector<16xf32>
      %get3A_63 = arith.index_cast %mul3A_36 : i32 to index
      %get3A_64 = tpu.vector_load %arg15[%get3A_63] {strides = array<i32>} : memref<256xf32, #tpu.memory_space<vmem>>, vector<16xf32>,
      %get3A_65 = vector.shape_cast %get3A_64 : vector<16xf32> to vector<16xf32>
      %gt3A = arith.cmpf ogt, %add3A_62, %get3A_65 : vector<16xf32>
      %jit3A = arith.constant 1.000000e+00 : f32
      %jit3A_66 = arith.constant 0.000000e+00 : f32
      %broadcast_in_dim3A = vector.broadcast %jit3A : f32 to vector<16xf32>
      %broadcast_in_dim3A_67 = vector.broadcast %jit3A_66 : f32 to vector<16xf32>
      %select_n3A = arith.select %gt3A, %broadcast_in_dim3A, %broadcast_in_dim3A_67 : vector<16xi1>, vector<16xf32>
      %swap3A = arith.index_cast %mul3A_36 : i32 to index
      %swap3A_68 = tpu.vector_load %arg16[%swap3A] {strides = array<i32>} : memref<256xf32, #tpu.memory_space<vmem>>, vector<16xf32>,
      %swap3A_69 = vector.shape_cast %swap3A_68 : vector<16xf32> to vector<16xf32>
      %swap3A_70 = vector.shape_cast %select_n3A : vector<16xf32> to vector<16xf32>
      tpu.vector_store %arg16[%swap3A], %swap3A_70 {strides = array<i32>} : memref<256xf32, #tpu.memory_space<vmem>>, vector<16xf32>,
    }
    %scan3A_33 = arith.constant 16 : i32
    "tpu.region"() ({
      %run_scoped3A = tpu.sem_alloc : memref<!tpu.dma_semaphore, #tpu.memory_space<semaphore_mem>>
      %dma_start3A_34 = tpu.memref_slice %arg8[%mul3A_2] : memref<8192xf32, #tpu.memory_space<hbm>> -> memref<256xf32, #tpu.memory_space<hbm>>
      %dma_start3A_35 = tpu.memref_slice %arg8[%mul3A_2] : memref<8192xf32, #tpu.memory_space<hbm>> -> memref<256xf32, #tpu.memory_space<hbm>>
      tpu.enqueue_dma source(%arg16 : memref<256xf32, #tpu.memory_space<vmem>>) target(%dma_start3A_35 : memref<256xf32, #tpu.memory_space<hbm>>) target_semaphore(%run_scoped3A : memref<!tpu.dma_semaphore, #tpu.memory_space<semaphore_mem>>)
      %dma_wait3A_36 = tpu.memref_slice %arg8[%mul3A_2] : memref<8192xf32, #tpu.memory_space<hbm>> -> memref<256xf32, #tpu.memory_space<hbm>>
      %dma_wait3A_37 = tpu.memref_slice %arg8[%mul3A_2] : memref<8192xf32, #tpu.memory_space<hbm>> -> memref<256xf32, #tpu.memory_space<hbm>>
      tpu.wait_dma2 semaphore(%run_scoped3A : memref<!tpu.dma_semaphore, #tpu.memory_space<semaphore_mem>>) src(%arg16 : memref<256xf32, #tpu.memory_space<vmem>>) dst(%dma_wait3A_37 : memref<256xf32, #tpu.memory_space<hbm>>)
      tpu.yield
    }) : () -> ()
    return
  }
}

module attributes {stable_mosaic.version = 14 : i64} {
  func.func @_tc_body(%arg0: memref<64x128xi32, #tpu.memory_space<vmem>>, %arg1: memref<64x128xf32, #tpu.memory_space<vmem>>, %arg2: memref<64x128xf32, #tpu.memory_space<vmem>>, %arg3: memref<64x128xf32, #tpu.memory_space<vmem>>, %arg4: memref<64x128xf32, #tpu.memory_space<vmem>>, %arg5: memref<64x128xi32, #tpu.memory_space<vmem>>, %arg6: memref<1x1xi32, #tpu.memory_space<smem>>, %arg7: memref<64x128xi32, #tpu.memory_space<vmem>>) attributes {dimension_semantics = [], scalar_prefetch = 0 : i64, scratch_operands = 0 : i64, tpu.core_type = #tpu.core_type<tc>} {
    %get3A = arith.constant 0 : index
    %get3A_0 = arith.constant 0 : index
    %get3A_1 = vector.load %arg3[%get3A, %get3A_0] : memref<64x128xf32, #tpu.memory_space<vmem>>, vector<64x128xf32>
    %sub3A = arith.constant 1.000000e+00 : f32
    %sub3A_2 = vector.broadcast %sub3A : f32 to vector<64x128xf32>
    %sub3A_3 = arith.subf %sub3A_2, %get3A_1 : vector<64x128xf32>
    %mul3A = arith.constant 2.000000e-01 : f32
    %mul3A_4 = vector.broadcast %mul3A : f32 to vector<64x128xf32>
    %mul3A_5 = arith.mulf %sub3A_3, %mul3A_4 : vector<64x128xf32>
    %add3A = arith.addf %get3A_1, %mul3A_5 : vector<64x128xf32>
    %get3A_6 = arith.constant 0 : index
    %get3A_7 = arith.constant 0 : index
    %get3A_8 = vector.load %arg2[%get3A_6, %get3A_7] : memref<64x128xf32, #tpu.memory_space<vmem>>, vector<64x128xf32>
    %mul3A_9 = arith.constant 0.899999976 : f32
    %mul3A_10 = vector.broadcast %mul3A_9 : f32 to vector<64x128xf32>
    %mul3A_11 = arith.mulf %mul3A_10, %get3A_8 : vector<64x128xf32>
    %get3A_12 = arith.constant 0 : index
    %get3A_13 = arith.constant 0 : index
    %get3A_14 = vector.load %arg1[%get3A_12, %get3A_13] : memref<64x128xf32, #tpu.memory_space<vmem>>, vector<64x128xf32>
    %mul3A_15 = arith.mulf %get3A_14, %add3A : vector<64x128xf32>
    %add3A_16 = arith.addf %mul3A_11, %mul3A_15 : vector<64x128xf32>
    %add3A_17 = arith.constant 5.000000e-02 : f32
    %add3A_18 = vector.broadcast %add3A_17 : f32 to vector<64x128xf32>
    %add3A_19 = arith.addf %add3A_16, %add3A_18 : vector<64x128xf32>
    %get3A_20 = arith.constant 0 : index
    %get3A_21 = arith.constant 0 : index
    %get3A_22 = vector.load %arg4[%get3A_20, %get3A_21] : memref<64x128xf32, #tpu.memory_space<vmem>>, vector<64x128xf32>
    %gt3A = arith.cmpf ogt, %add3A_19, %get3A_22 : vector<64x128xf32>
    %swap3A = arith.constant 0 : index
    %swap3A_23 = arith.constant 0 : index
    %swap3A_24 = vector.load %arg5[%swap3A, %swap3A_23] : memref<64x128xi32, #tpu.memory_space<vmem>>, vector<64x128xi32>
    %swap3A_25 = arith.extui %gt3A : vector<64x128xi1> to vector<64x128xi32>
    %swap3A_26 = arith.constant dense<0> : vector<64x128xi32>
    %swap3A_27 = arith.cmpi ne, %swap3A_24, %swap3A_26 : vector<64x128xi32>
    tpu.vector_store %arg5[%swap3A, %swap3A_23], %swap3A_25 {strides = array<i32>} : memref<64x128xi32, #tpu.memory_space<vmem>>, vector<64x128xi32>,
    %get3A_28 = arith.constant 0 : index
    %get3A_29 = arith.constant 0 : index
    %get3A_30 = vector.load %arg0[%get3A_28, %get3A_29] : memref<64x128xi32, #tpu.memory_space<vmem>>, vector<64x128xi32>
    %get3A_31 = arith.constant dense<0> : vector<64x128xi32>
    %get3A_32 = arith.cmpi ne, %get3A_30, %get3A_31 : vector<64x128xi32>
    %convert_element_type3A = arith.extui %get3A_32 : vector<64x128xi1> to vector<64x128xi32>
    %swap3A_33 = arith.constant 0 : index
    %swap3A_34 = arith.constant 0 : index
    %swap3A_35 = vector.load %arg7[%swap3A_33, %swap3A_34] : memref<64x128xi32, #tpu.memory_space<vmem>>, vector<64x128xi32>
    tpu.vector_store %arg7[%swap3A_33, %swap3A_34], %convert_element_type3A {strides = array<i32>} : memref<64x128xi32, #tpu.memory_space<vmem>>, vector<64x128xi32>,
    %reduce_sum3A = vector.shape_cast %convert_element_type3A : vector<64x128xi32> to vector<1x64x128xi32>
    %reduce_sum3A_36 = arith.constant dense<0> : vector<1xi32>
    %reduce_sum3A_37 = vector.multi_reduction <add>, %reduce_sum3A, %reduce_sum3A_36 [1, 2] : vector<1x64x128xi32> to vector<1xi32>
    %reduce_sum3A_38 = vector.shape_cast %reduce_sum3A_37 : vector<1xi32> to vector<1x1x1xi32>
    %reduce_sum3A_39 = vector.extract %reduce_sum3A_38[0, 0, 0] : i32 from vector<1x1x1xi32>
    %swap3A_40 = arith.constant 0 : index
    %swap3A_41 = arith.constant 0 : index
    %swap3A_42 = memref.load %arg6[%swap3A_40, %swap3A_41] : memref<1x1xi32, #tpu.memory_space<smem>>
    memref.store %reduce_sum3A_39, %arg6[%swap3A_40, %swap3A_41] : memref<1x1xi32, #tpu.memory_space<smem>>
    return
  }
}

</mosaic_0001>

<sc_bundles>
// kernel: branch_1_fun.3.cloned.1.call-start
scs
__scs_entry_jumppad:
0x0: {  	(pc) =	sbr.rel $0x88, $3  }
0x1: {  	(tag) =	ssettag $0x0;
	lr =	simm.s32 $0x1  }
0x2: {  	[smem:$0x3F9B] =	sst lr;
	_ =	strace $0xD0000000  }
0x3: {  	_ = 	snop  }
0x4: {  	_ = 	snop  }
0x5: {  	_ = 	snop  }
0x6: {  	_ = 	snop  }
0x7: {  	_ = 	snop  }
__scs_overlays_trampoline_lowered:
0x8: {  	[smem:$0x3FAA] =	sst s0  }
0x9: {  	[smem:$0x3FAB] =	sst s1  }
0xa: {  	[smem:$0x3FAC] =	sst s2  }
0xb: {  	[smem:$0x3FAD] =	sst s3  }
0xc: {  	[smem:$0x3FAE] =	sst s4  }
0xd: {  	[smem:$0x3FAF] =	sst s5  }
0xe: {  	[smem:$0x3FB0] =	sst s6  }
0xf: {  	[smem:$0x3FB1] =	sst s7  }
0x10: {  	[smem:$0x3FB2] =	sst s8  }
0x11: {  	[smem:$0x3FB3] =	sst s9;
	s0 =	simm.s32 @!p0 $0x0  }
0x12: {  	s1 =	sld [smem:$0x3F99];
	s0 =	simm.s32 @p0 $0x1  }
0x13: {  	[smem:$0x3FB4] =	sst s0;
	s0 =	simm.s32 @!p1 $0x0  }
0x14: {  	s2 =	sld [smem:$0x3F98];
	s0 =	simm.s32 @p1 $0x1  }
0x15: {  	[smem:$0x3FB5] =	sst s0;
	s0 =	simm.s32 @!p2 $0x0  }
0x16: {  	s3 =	sld [smem:$0x3FDB];
	s0 =	simm.s32 @p2 $0x1  }
0x17: {  	s4 =	simm.s32 $0x1BF5;
	[smem:$0x3FB7] =	sst s0  }
0x18: {  	s0 =	sld [smem:$0x3F9A];
	_ =	swait.ge [sflag:s4], $0x0  }
0x19: {  	s7 =	sld [smem:$0x3F9B]  }
0x1a: {  	s8 =	sadd.s32 $0xFFFFE003, lr  }
0x1b: {  	s9 =	sadd.s32 $0xFFFFFEF7, lr;
	s5 =	simm.s32 $0xFFFFFFFF;
	p2 =	slt.u32 s8, $0xFFFFF086  }
0x1c: {  	p1 =	slt.u32 s9, $0xF7A;
	s5 =	simm.s32 @!p2 $0x0  }
0x1d: {  	s5 =	simm.s32 @p1 $0x1;
	p0 =	seq.s32 s7, s2  }
0x1e: {  	s7 =	smul.u32 @!p0 $0xF7A, s2;
	p2 =	seq.s32 @!p0 s5, $0x0  }
0x1f: {  	s9 =	smul.u32 $0xF7A, s1;
	s8 =	simm.s32 @!p0 $0x1BF5;
	p2 =	por !p2, p0  }
0x20: {  	[sflag:s8] =	ssyncset.s32 @!p0 $0xFFFFF086;
	s6 =	sadd.s32 @!p0 s3, s7;
	s7 =	simm.s32 @!p0 $0x108  }
0x21: {  	s3 =	sadd.s32 s3, s9;
	s6 =	sadd.s32 @!p0 $0x88, s6;
	s7 =	simm.s32 @p2 $0x1082  }
0x22: {  	[simem:s7], [sflag:s8] =	dma.local @!p0 [hbm:s6], $0xF7A  }
0x23: {  	s9 =	sor.u32 $0xD0000000, s2;
	s6 =	simm.s32 $0x108;
	_ =	swait.ge @!p0 [sflag:s8], $0x0  }
0x24: {  	s3 =	sadd.s32 $0x88, s3;
	s6 =	simm.s32 @!p1 $0x1082;
	[sflag:s4] =	ssyncset.s32 $0xFFFFF086  }
0x25: {  	[simem:s6], [sflag:s4] =	dma.local [hbm:s3], $0xF7A  }
0x26: {  	[smem:$0x3F9B] =	sst s1;
	(tag) =	ssettag s2;
	_ =	strace s9  }
0x27: {  	s1 =	sld [smem:$0x3FAB]  }
0x28: {  	s2 =	sld [smem:$0x3FAC]  }
0x29: {  	s4 =	sld [smem:$0x3FAE]  }
0x2a: {  	p0 =	seq.s32 s5, $0x0;
	s5 =	sld [smem:$0x3FAF]  }
0x2b: {  	s6 =	sld [smem:$0x3FB0]  }
0x2c: {  	s7 =	sld [smem:$0x3FB1]  }
0x2d: {  	s3 =	simm.s32 $0x108;
	s8 =	sld [smem:$0x3FB2]  }
0x2e: {  	s3 =	simm.s32 @!p0 $0x1082;
	s9 =	sld [smem:$0x3FB3]  }
0x2f: {  	lr =	sadd.s32 s0, s3;
	s0 =	sld [smem:$0x3FAA]  }
0x30: {  	s3 =	sld [smem:$0x3FAD]  }
0x31: {  	[smem:$0x3FB6] =	sst s10  }
0x32: {  	s10 =	sld [smem:$0x3FB4];
	_ =	sdelay $0x3  }
0x33: {  	p0 =	seq.s32 s10, $0x1;
	s10 =	sld [smem:$0x3FB6];
	_ =	sdelay $0x3  }
0x34: {  	[smem:$0x3FB6] =	sst s10  }
0x35: {  	s10 =	sld [smem:$0x3FB5];
	_ =	sdelay $0x3  }
0x36: {  	p1 =	seq.s32 s10, $0x1;
	s10 =	sld [smem:$0x3FB6];
	_ =	sdelay $0x3  }
0x37: {  	[smem:$0x3FB6] =	sst s10  }
0x38: {  	s10 =	sld [smem:$0x3FB7]  }
0x39: {  	_ = 	snop;
	(pc) =	sbr.ind lr, $3  }
0x3a: {  	_ = 	snop  }
0x3b: {  	_ = 	snop  }
0x3c: {  	p2 =	seq.s32 s10, $0x1;
	s10 =	sld [smem:$0x3FB6]  }
0x3d: {  	_ =	shalt  }
0x3e: {  	_ =	shalt  }
0x3f: {  	_ =	shalt  }
0x40: {  	_ =	shalt  }
0x41: {  	_ =	shalt  }
0x42: {  	_ =	shalt  }
0x43: {  	_ =	shalt  }
0x44: {  	_ =	shalt  }
0x45: {  	_ =	shalt  }
0x46: {  	_ =	shalt  }
0x47: {  	_ =	shalt  }
0x48: {  	_ =	shalt  }
0x49: {  	_ =	shalt  }
0x4a: {  	_ =	shalt  }
0x4b: {  	_ =	shalt  }
0x4c: {  	_ =	shalt  }
0x4d: {  	_ =	shalt  }
0x4e: {  	_ =	shalt  }
0x4f: {  	_ =	shalt  }
0x50: {  	_ =	shalt  }
0x51: {  	_ =	shalt  }
0x52: {  	_ =	shalt  }
0x53: {  	_ =	shalt  }
0x54: {  	_ =	shalt  }
0x55: {  	_ =	shalt  }
0x56: {  	_ =	shalt  }
0x57: {  	_ =	shalt  }
0x58: {  	_ =	shalt  }
0x59: {  	_ =	shalt  }
0x5a: {  	_ =	shalt  }
0x5b: {  	_ =	shalt  }
0x5c: {  	_ =	shalt  }
0x5d: {  	_ =	shalt  }
0x5e: {  	_ =	shalt  }
0x5f: {  	_ =	shalt  }
0x60: {  	_ =	shalt  }
0x61: {  	_ =	shalt  }
0x62: {  	_ =	shalt  }
0x63: {  	_ =	shalt  }
0x64: {  	_ =	shalt  }
0x65: {  	_ =	shalt  }
0x66: {  	_ =	shalt  }
0x67: {  	_ =	shalt  }
0x68: {  	_ =	shalt  }
0x69: {  	_ =	shalt  }
0x6a: {  	_ =	shalt  }
0x6b: {  	_ =	shalt  }
0x6c: {  	_ =	shalt  }
0x6d: {  	_ =	shalt  }
0x6e: {  	_ =	shalt  }
0x6f: {  	_ =	shalt  }
0x70: {  	_ =	shalt  }
0x71: {  	_ =	shalt  }
0x72: {  	_ =	shalt  }
0x73: {  	_ =	shalt  }
0x74: {  	_ =	shalt  }
0x75: {  	_ =	shalt  }
0x76: {  	_ =	shalt  }
0x77: {  	_ =	shalt  }
0x78: {  	_ =	shalt  }
0x79: {  	_ =	shalt  }
0x7a: {  	_ =	shalt  }
0x7b: {  	_ =	shalt  }
0x7c: {  	_ =	shalt  }
0x7d: {  	_ =	shalt  }
0x7e: {  	_ =	shalt  }
0x7f: {  	_ =	shalt  }
0x80: {  	_ =	shalt  }
0x81: {  	_ =	shalt  }
0x82: {  	_ =	shalt  }
0x83: {  	_ =	shalt  }
0x84: {  	_ =	shalt  }
0x85: {  	_ =	shalt  }
0x86: {  	_ =	shalt  }
0x87: {  	_ =	shalt  }
.Lfunc_end0:
.L_simem_size_0:
called_computation_lowered:
.L_overlay_start_0:
0x88: {  	s2 =	sld [smem:$0x3FD9]  }
0x89: {  	s3 =	sld [smem:$0x3FFE];
	_ =	sdelay $0x1  }
0x8a: {  	s1 =	srdreg.scid  }
0x8b: {  	s0 =	sand.u32 $0x1, s1  }
0x8c: {  	s17 =	sshll.u32 s0, $0xA;
	s2 =	sadd.s32 s3, s2  }
0x8d: {  	s2 =	sadd.s32 s2, s17  }
0x8e: {  	[smem:$0x3FC2] =	sst s2  }
0x8f: {  	_ = 	snop  }
0x90: {  	s2 =	sld [smem:$0x3FC9]  }
0x91: {  	s18 =	sld [smem:$0x3FC8]  }
0x92: {  	s4 =	sld [smem:$0x3FC7]  }
0x93: {  	s5 =	sld [smem:$0x3FC6]  }
0x94: {  	s6 =	sld [smem:$0x3FC5];
	(tm) =	ssettm $0x1  }
0x95: {  	s7 =	sld [smem:$0x3FFB];
	_ =	sdelay $0x3  }
0x96: {  	_ =	strace s7  }
0x97: {  	s7 =	sld [smem:$0x3FFC];
	_ =	sdelay $0x3  }
0x98: {  	_ =	strace s7  }
0x99: {  	s7 =	sld [smem:$0x3FFD];
	_ =	sdelay $0x3  }
0x9a: {  	_ =	strace s7  }
0x9b: {  	_ =	strace $0x8FFFFFFF  }
0x9c: {  	s19 =	sld [smem:$0x3FDB];
	_ =	sdelay $0x1  }
0x9d: {  	s8 =	simm.s32 $_scs_section_size  }
0x9e: {  	s9 =	simm.s32 $_size__tile_overlayer_lowered;
	s10 =	simm.s32 $_tile_overlayer_lowered  }
0x9f: {  	s22 =	simm.s32 $0x1BFF;
	s21 =	sshll.u32 s10, $0x1;
	s7 =	sadd.s32 s8, s19  }
0xa0: {  	s11 =	simm.s32 $0x0;
	s20 =	sshll.u32 s9, $0x1;
	s9 =	sadd.s32 s21, s7  }
0xa1: {  	[timem:s11], [sflag:s22] =	dma.local [hbm:s9], s20  }
0xa2: {  	_ =	swait.ge [sflag:s22], s20  }
0xa3: {  	s8 =	ssub.s32 $0x0, s20;
	[sflag:s22] =	ssyncset.done $0x0  }
0xa4: {  	[sflag:s22] =	ssyncadd.s32 s8;
	_ =	sdelay $0x1  }
0xa5: {  	s23 =	simm.s32 $0x1B8B  }
0xa6: {  	_ =	swait.ge [sflag:s23], $0x1  }
0xa7: {  	[sflag:s23] =	ssyncset.done $0x0  }
0xa8: {  	s25 =	simm.s32 $0x1B8E;
	s24 =	sld [smem:$0x3FFE];
	[sflag:s23] =	ssyncadd.s32 $0xFFFFFFFF  }
0xa9: {  	s26 =	simm.s32 $execute0_lowered;
	[smem:$0x3FD2] =	sst s25  }
0xaa: {  	s9 =	sshll.u32 s26, $0x1;
	_ =	strace $0x80000046;
	[dreg:$0x1] =	wrdreg $0xFFFFFFFF  }
0xab: {  	s28 =	simm.s32 $_size_execute0_lowered;
	s7 =	sadd.s32 s7, s9;
	[dreg:$0x0] =	wrdreg $0x0  }
0xac: {  	s9 =	sshll.u32 s28, $0x1;
	[dreg:$0x2] =	wrdreg s7  }
0xad: {  	[dreg:$0x3] =	wrdreg s9  }
0xae: {  	[dreg:$0x4] =	wrdreg $0xC0  }
0xaf: {  	_ =	task [dreg:s11], $0x5FFFF  }
0xb0: {  	[dreg:$0x1] =	wrdreg $0xFFFFFFFF  }
0xb1: {  	[dreg:$0x0] =	wrdreg $0x60  }
0xb2: {  	[dreg:$0x2] =	wrdreg s24  }
0xb3: {  	[dreg:$0x3] =	wrdreg s2  }
0xb4: {  	[dreg:$0x4] =	wrdreg s18  }
0xb5: {  	[dreg:$0x5] =	wrdreg s4  }
0xb6: {  	[dreg:$0x6] =	wrdreg s5  }
0xb7: {  	[dreg:$0x7] =	wrdreg s6  }
0xb8: {  	[dreg:$0x8] =	wrdreg $0x9  }
0xb9: {  	_ =	task.clear_ibuf [dreg:s11], $0x9FFFF;
	_ =	strace $0x90000046  }
0xba: {  	s29 =	simm.s32 $0x9;
	_ =	strace $0x80000048  }
0xbb: {  	_ =	swait.ge [sflag:s29], $0x1  }
0xbc: {  	[sflag:s29] =	ssyncadd.s32 $0xFFFFFFFF  }
0xbd: {  	_ =	strace $0x90000048  }
0xbe: {  	_ =	sfence  }
0xbf: {  	s30 =	sld [smem:$0x0];
	_ =	sdelay $0x2  }
0xc0: {  	s31 =	sshll.u32 s1, $0xD;
	s1 =	sshrl.u32 s1, $0x2  }
0xc1: {  	s3 =	sand.u32 $0x4000, s31;
	s1 =	sadd.s32 s1, s30  }
0xc2: {  	s0 =	sor.u32 s3, s0;
	s1 =	sshll.u32 s1, $0x11  }
0xc3: {  	s0 =	sor.u32 s1, s0  }
0xc4: {  	s0 =	sadd.s32 $0x8F2B, s0  }
0xc5: {  	[sflag:s0] =	ssyncadd.remote.s32 $0x1  }
0xc6: {  	_ =	sfence.sel $0xFFFF  }
0xc7: {  	[dreg:$0x0] =	wrdreg $0xFFFFFFFF;
	(pc) =	sbr.abs _section_cstart, $3  }
0xc8: {  	[dreg:$0x1] =	wrdreg $0xFFFFFFFF  }
0xc9: {  	_ =	task.clear_ibuf [dreg:s11], $0x2FFFF;
	_ =	strace $0x9FFFFFFF  }
0xca: {  	(tm) =	ssettm $0x7FFFFFFF  }
0xcb: {  	_ =	shalt  }
tec
execute0_lowered:
.L_overlay_start_1:
0x0: {  	(tag) =	ssettag $0x1  }
0x1: {  	s4 =	rddreg [dreg:$0x0]  }
0x2: {  	s5 =	rddreg [dreg:$0x1]  }
0x3: {  	s6 =	rddreg [dreg:$0x2]  }
0x4: {  	s7 =	rddreg [dreg:$0x3]  }
0x5: {  	s8 =	rddreg [dreg:$0x4]  }
0x6: {  	s9 =	rddreg [dreg:$0x5];
	s2 =	srdreg.scid  }
0x7: {  	s0 =	rddreg [dreg:$0x6];
	s1 =	stileid.u32;
	s15 =	simm.s32 $0x2580  }
0x8: {  	s16 =	simm.s32 $0x1;
	s17 =	simm.s32 $0x2680;
	s18 =	simm.s32 $0x80  }
0x9: {  	s19 =	simm.s32 $0x400;
	s20 =	simm.s32 $0x2080;
	s21 =	simm.s32 $0x0  }
0xa: {  	s3 =	sand.u32 $0x1, s2;
	s2 =	simm.s32 $0x0;
	s10 =	sshll.u32 s1, $0x9  }
0xb: {  	s11 =	sshll.u32 s3, $0x8;
	[smem:$0x7FF] =	sst s2;
	s31 =	ssub.s32 $0x2, s3  }
0xc: {  	s3 =	sadd.s32 $0xE00, s4;
	s10 =	sor.u32 s11, s10;
	s13 =	sshrl.u32 s31, $0x1  }
0xd: {  	_ =	strace $0x80000047;
	s12 =	sshrl.u32 s10, $0x3;
	s11 =	ssub.s32 s31, s13  }
0xe: {  	s13 =	simm.s32 $0x2380;
	s14 =	sadd.s32 s12, s4;
	s4 =	sadd.s32 s5, s12  }
0xf: {  	s5 =	sadd.s32 s6, s12;
	s6 =	sadd.s32 s7, s12;
	s7 =	sadd.s32 s8, s12  }
0x10: {  	s8 =	sadd.s32 s9, s10;
	s10 =	smax.u32 s11, $0x1;
	s11 =	simm.s32 $0x2  }
0x11: {  	v0 =	vimm.f32 $0.0e+00;
	s12 =	simm.s32 $0x2280;
	s9 =	sadd.s32 $0x1200, s14;
	s14 =	simm.s32 $0x2480  }
.LBB2_1:
0x12: {  	[tilespmem:s2], [sflag:$0x2] =	stream.linear.gather [hbm4b:s3+s2], $0x2000, $0x38;
	[tilespmem:$0x2780] =	vst v63  }
0x13: {  	_ =	swait.ge [sflag:s11], $0x2000  }
0x14: {  	[sflag:s11] =	ssyncset.done $0x0  }
0x15: {  	[sflag:s11] =	ssyncadd.s32 $0xFFFFE000  }
0x16: {  	[tilespmem:s12], [sflag:$0x1] =	stream.linear.gather [hbm4b:s4+s2], $0x100, $0x38;
	[tilespmem:$0x2780] =	vst v63  }
0x17: {  	_ = 	snop  }
0x18: {  	[tilespmem:s13], [sflag:$0x1] =	stream.linear.gather [hbm4b:s5+s2], $0x100, $0x38;
	[tilespmem:$0x2780] =	vst v63  }
0x19: {  	_ = 	snop  }
0x1a: {  	[tilespmem:s14], [sflag:$0x1] =	stream.linear.gather [hbm4b:s6+s2], $0x100, $0x38;
	[tilespmem:$0x2780] =	vst v63  }
0x1b: {  	_ = 	snop  }
0x1c: {  	[tilespmem:s15], [sflag:$0x1] =	stream.linear.gather [hbm4b:s7+s2], $0x100, $0x38;
	[tilespmem:$0x2780] =	vst v63  }
0x1d: {  	[tilespmem:$0x2180] =	vst v0  }
0x1e: {  	[tilespmem:$0x2190] =	vst v0  }
0x1f: {  	[tilespmem:$0x21A0] =	vst v0  }
0x20: {  	[tilespmem:$0x21B0] =	vst v0  }
0x21: {  	[tilespmem:$0x21C0] =	vst v0  }
0x22: {  	[tilespmem:$0x21D0] =	vst v0  }
0x23: {  	[tilespmem:$0x21E0] =	vst v0  }
0x24: {  	[tilespmem:$0x21F0] =	vst v0  }
0x25: {  	[tilespmem:$0x2200] =	vst v0  }
0x26: {  	[tilespmem:$0x2210] =	vst v0  }
0x27: {  	[tilespmem:$0x2220] =	vst v0  }
.Ltmp0:
0x28: {  	[tilespmem:$0x2230] =	vst v0;
	(pc) =	sbr.rel .LBB2_2-.Ltmp0, $4  }
0x29: {  	[tilespmem:$0x2240] =	vst v0  }
0x2a: {  	[tilespmem:$0x2250] =	vst v0  }
0x2b: {  	[tilespmem:$0x2260] =	vst v0  }
0x2c: {  	s22 =	simm.s32 $0x0;
	s23 =	simm.s32 $0x0;
	s24 =	simm.s32 $0x0;
	[tilespmem:$0x2270] =	vst v0  }
.LBB2_4:
0x2d: {  	s24 =	sadd.s32 $0x10, s24  }
0x2e: {  	p0 =	sne.s32 s24, $0x20000  }
.Ltmp1:
0x2f: {  	_ = 	snop;
	(pc) =	sbr.rel @!p0 .LBB2_5-.Ltmp1, $2  }
0x30: {  	_ =	sdelay $0x2  }
0x31: {  	s23 =	sadd.s32 $0x400, s23;
	s22 =	sadd.s32 $0x1, s22  }
.LBB2_2:
0x32: {  	v1 =	vld [tilespmem:s22+$0x0];
	_ =	sdelay $0x4  }
0x33: {  	(v2sf) =	vpush v1, $0x0;
	_ =	sdelay $0xe  }
0x34: {  	s25 =	spop (v2sf)  }
0x35: {  	p0 =	seq.s32 s25, $0x0  }
.Ltmp2:
0x36: {  	_ = 	snop;
	(pc) =	sbr.rel @p0 .LBB2_4-.Ltmp2, $1  }
0x37: {  	_ =	sdelay $0x3  }
0x38: {  	s25 =	sand.u32 $0x7FE000, s23;
	s26 =	sand.u32 $0x70, s24  }
0x39: {  	s25 =	sor.u32 s26, s25  }
0x3a: {  	s25 =	sadd.s32 s25, s8  }
0x3b: {  	[tilespmem:s20], [sflag:$0x2] =	stream.strided.gather [hbm4b:s25+s18], $0x100, s19, s18, $0x38;
	[tilespmem:$0x2780] =	vst v63  }
0x3c: {  	_ =	swait.ge [sflag:s11], $0x100  }
0x3d: {  	[sflag:s11] =	ssyncset.done $0x0  }
0x3e: {  	[sflag:s11] =	ssyncadd.s32 $0xFFFFFF00  }
0x3f: {  	v1 =	vld [tilespmem:$0x2180]  }
0x40: {  	v2 =	vld [tilespmem:$0x2080]  }
0x41: {  	v3 =	vld [tilespmem:$0x2190]  }
0x42: {  	v4 =	vld [tilespmem:$0x2090]  }
0x43: {  	v5 =	vld [tilespmem:$0x21A0]  }
0x44: {  	v6 =	vld [tilespmem:$0x20A0]  }
0x45: {  	v7 =	vld [tilespmem:$0x21B0]  }
0x46: {  	v8 =	vld [tilespmem:$0x20B0]  }
0x47: {  	v9 =	vld [tilespmem:$0x21C0]  }
0x48: {  	v10 =	vld [tilespmem:$0x20C0]  }
0x49: {  	v11 =	vld [tilespmem:$0x21D0]  }
0x4a: {  	v12 =	vld [tilespmem:$0x20D0]  }
0x4b: {  	v13 =	vld [tilespmem:$0x21E0]  }
0x4c: {  	v14 =	vld [tilespmem:$0x20E0]  }
0x4d: {  	v15 =	vld [tilespmem:$0x21F0]  }
0x4e: {  	v16 =	vld [tilespmem:$0x20F0]  }
0x4f: {  	v17 =	vld [tilespmem:$0x2200]  }
0x50: {  	v18 =	vld [tilespmem:$0x2100]  }
0x51: {  	v19 =	vld [tilespmem:$0x2210]  }
0x52: {  	v20 =	vld [tilespmem:$0x2110]  }
0x53: {  	v21 =	vld [tilespmem:$0x2220]  }
0x54: {  	v55 =	vld [tilespmem:$0x2230];
	v1 =	vadd.f32 v2, v1  }
0x55: {  	v56 =	vld [tilespmem:$0x2130];
	v3 =	vadd.f32 v4, v3  }
0x56: {  	v57 =	vld [tilespmem:$0x2240];
	[tilespmem:$0x2180] =	vst v1;
	v1 =	vadd.f32 v6, v5  }
0x57: {  	v58 =	vld [tilespmem:$0x2140];
	[tilespmem:$0x2190] =	vst v3;
	v3 =	vadd.f32 v8, v7  }
0x58: {  	v59 =	vld [tilespmem:$0x2250];
	[tilespmem:$0x21A0] =	vst v1;
	v1 =	vadd.f32 v10, v9  }
0x59: {  	v2 =	vld [tilespmem:$0x2120];
	[tilespmem:$0x21B0] =	vst v3;
	v3 =	vadd.f32 v12, v11  }
0x5a: {  	v60 =	vld [tilespmem:$0x2150];
	[tilespmem:$0x21C0] =	vst v1;
	v1 =	vadd.f32 v14, v13  }
0x5b: {  	v61 =	vld [tilespmem:$0x2260];
	[tilespmem:$0x21D0] =	vst v3;
	v3 =	vadd.f32 v16, v15  }
0x5c: {  	v62 =	vld [tilespmem:$0x2160];
	[tilespmem:$0x21E0] =	vst v1;
	v1 =	vadd.f32 v18, v17  }
0x5d: {  	v63 =	vld [tilespmem:$0x2270];
	[tilespmem:$0x21F0] =	vst v3;
	v3 =	vadd.f32 v20, v19  }
0x5e: {  	[tilespmem:$0x2200] =	vst v1;
	v1 =	vadd.f32 v2, v21;
	v2 =	vld [tilespmem:$0x2170]  }
0x5f: {  	[tilespmem:$0x2210] =	vst v3;
	v3 =	vadd.f32 v56, v55  }
0x60: {  	[tilespmem:$0x2220] =	vst v1;
	v1 =	vadd.f32 v58, v57  }
.Ltmp3:
0x61: {  	[tilespmem:$0x2230] =	vst v3;
	v3 =	vadd.f32 v60, v59;
	(pc) =	sbr.rel .LBB2_4-.Ltmp3, $4  }
0x62: {  	[tilespmem:$0x2240] =	vst v1;
	v1 =	vadd.f32 v62, v61  }
0x63: {  	[tilespmem:$0x2250] =	vst v3;
	v2 =	vadd.f32 v2, v63  }
0x64: {  	[tilespmem:$0x2260] =	vst v1  }
0x65: {  	[tilespmem:$0x2270] =	vst v2  }
.LBB2_5:
0x66: {  	_ =	swait.ge [sflag:s16], $0x100  }
0x67: {  	[sflag:s16] =	ssyncset.done $0x0  }
0x68: {  	[sflag:s16] =	ssyncadd.s32 $0xFFFFFF00  }
0x69: {  	_ =	swait.ge [sflag:s16], $0x100  }
0x6a: {  	[sflag:s16] =	ssyncset.done $0x0  }
0x6b: {  	[sflag:s16] =	ssyncadd.s32 $0xFFFFFF00  }
0x6c: {  	_ =	swait.ge [sflag:s16], $0x100  }
0x6d: {  	[sflag:s16] =	ssyncset.done $0x0  }
0x6e: {  	[sflag:s16] =	ssyncadd.s32 $0xFFFFFF00  }
0x6f: {  	_ =	swait.ge [sflag:s16], $0x100  }
0x70: {  	[sflag:s16] =	ssyncset.done $0x0  }
0x71: {  	s23 =	simm.s32 $0x0;
	[sflag:s16] =	ssyncadd.s32 $0xFFFFFF00  }
0x72: {  	v1 =	vld [tilespmem:s23+$0x2480];
	_ =	sdelay $0x2  }
0x73: {  	v2 =	vld [tilespmem:s23+$0x2280]  }
0x74: {  	v3 =	vld [tilespmem:s23+$0x2180]  }
0x75: {  	s22 =	simm.s32 $0x10;
	v5 =	vld [tilespmem:s23+$0x2380];
	v4 =	vsub.f32 $1.000000000e+00, v1  }
0x76: {  	v6 =	vld [tilespmem:s22+$0x2480]  }
0x77: {  	v4 =	vmul.f32 $2.000000030e-01, v4  }
0x78: {  	v7 =	vld [tilespmem:s22+$0x2280]  }
0x79: {  	v8 =	vld [tilespmem:s22+$0x2180];
	v2 =	vadd.f32 v3, v2;
	v1 =	vadd.f32 v4, v1  }
0x7a: {  	v10 =	vld [tilespmem:s22+$0x2380]  }
0x7b: {  	s24 =	simm.s32 $0x20;
	v3 =	vmul.f32 $8.999999760e-01, v5;
	v5 =	vld [tilespmem:s23+$0x2580];
	v4 =	vsub.f32 $1.000000000e+00, v6;
	v2 =	vmul.f32 v2, v1  }
0x7c: {  	v1 =	vld [tilespmem:s24+$0x2480]  }
0x7d: {  	v9 =	vmul.f32 $2.000000030e-01, v4;
	v2 =	vadd.f32 v2, v3  }
0x7e: {  	v7 =	vadd.f32 v8, v7;
	v4 =	vld [tilespmem:s24+$0x2180]  }
0x7f: {  	v3 =	vld [tilespmem:s24+$0x2280];
	v8 =	vadd.f32 v9, v6;
	v9 =	vadd.f32 $5.000000070e-02, v2  }
0x80: {  	s25 =	simm.s32 $0xC0;
	v6 =	vmul.f32 $8.999999760e-01, v10;
	v2 =	vld [tilespmem:s22+$0x2580]  }
.LBB2_6:
0x81: {  	s26 =	sshra.s32 s25, $0x2;
	p0 =	sne.s32 s25, $0x3C0;
	s25 =	sadd.s32 $0x40, s25;
	v10 =	vsub.f32 $1.000000000e+00, v1;
	v11 =	vld [tilespmem:s24+$0x2380];
	v7 =	vmul.f32 v7, v8;
	vm0 =	vgt.f32 v9, v5;
	v5 =	vmovc v1  }
.Ltmp4:
0x82: {  	v1 =	vld [tilespmem:s26+$0x2480];
	v8 =	vsel vm0, $0x3F800000, v0;
	(pc) =	sbr.rel @p0 .LBB2_6-.Ltmp4, $4  }
0x83: {  	v9 =	vmul.f32 $2.000000030e-01, v10;
	v6 =	vadd.f32 v7, v6;
	[tilespmem:s23+$0x2680] =	vst v8;
	s23 =	smov.u32 s22;
	s22 =	smov.u32 s24;
	s24 =	smov.u32 s26  }
0x84: {  	v7 =	vadd.f32 v4, v3;
	v3 =	vld [tilespmem:s24+$0x2280]  }
0x85: {  	v4 =	vld [tilespmem:s24+$0x2180];
	v8 =	vadd.f32 v9, v5;
	v9 =	vadd.f32 $5.000000070e-02, v6;
	v5 =	vmov v2  }
0x86: {  	v6 =	vmul.f32 $8.999999760e-01, v11;
	v2 =	vld [tilespmem:s22+$0x2580]  }
0x87: {  	v10 =	vsub.f32 $1.000000000e+00, v1  }
0x88: {  	v11 =	vld [tilespmem:s24+$0x2380]  }
0x89: {  	v10 =	vmul.f32 $2.000000030e-01, v10;
	_ =	sdelay $0x1  }
0x8a: {  	vm0 =	vgt.f32 v9, v5;
	v3 =	vadd.f32 v4, v3;
	v1 =	vadd.f32 v10, v1  }
0x8b: {  	v61 =	vmul.f32 v7, v8;
	v5 =	vsel vm0, $0x3F800000, v0  }
0x8c: {  	[tilespmem:s23+$0x2680] =	vst v5;
	v62 =	vmul.f32 $8.999999760e-01, v11;
	v1 =	vmul.f32 v3, v1  }
0x8d: {  	v63 =	vld [tilespmem:s24+$0x2580];
	v3 =	vadd.f32 v61, v6  }
0x8e: {  	v1 =	vadd.f32 v1, v62  }
0x8f: {  	v3 =	vadd.f32 $5.000000070e-02, v3  }
0x90: {  	v1 =	vadd.f32 $5.000000070e-02, v1  }
0x91: {  	vm14 =	vgt.f32 v3, v2  }
0x92: {  	s21 =	sadd.s32 $0x1, s21;
	v2 =	vsel vm14, $0x3F800000, v0;
	vm15 =	vgt.f32 v1, v63  }
0x93: {  	p0 =	sne.s32 s21, s10;
	[tilespmem:s22+$0x2680] =	vst v2;
	v1 =	vsel vm15, $0x3F800000, v0  }
.Ltmp5:
0x94: {  	[tilespmem:s24+$0x2680] =	vst v1;
	(pc) =	sbr.rel @p0 .LBB2_1-.Ltmp5, $4  }
0x95: {  	[hbm4b:s9+s2] =	stream.linear.scatter [tilespmem:s17], [sflag:$0x2], $0x100, $0x38;
	[tilespmem:$0x2780] =	vst v63  }
0x96: {  	_ =	swait.ge [sflag:s11], $0x100  }
0x97: {  	[sflag:s11] =	ssyncset.done $0x0  }
0x98: {  	[sflag:s11] =	ssyncadd.s32 $0xFFFFFF00  }
0x99: {  	_ =	sfence.sel $0x180000  }
0x9a: {  	[bflag:$0x0] =	sbarrier.arrive $0xFFFF  }
0x9b: {  	p0 =	sne.s32 s1, $0x0;
	_ =	strace $0x90000047  }
0x9c: {  	s0 =	sadd.s32 @!p0 $0x100000, s0;
	[bflag:$0x2] =	sbarrier.arrive $0xFFFF  }
0x9d: {  	[sflag:s0] =	ssyncadd.tile.s32 @!p0 $0x1;
	_ =	shalt  }
.Lfunc_end2:
_tile_overlayer_lowered:
.L_overlay_start_2:
0x9e: {  	(tag) =	ssettag $0x2  }
0x9f: {  	s0 =	rddreg [dreg:$0x0];
	s2 =	stileid.u32  }
0xa0: {  	s1 =	rddreg [dreg:$0x1];
	p0 =	sne.s32 s2, $0x0  }
0xa1: {  	s3 =	rddreg [dreg:$0x2];
	[bflag:$0x3] =	sbarrier.arrive $0xFFFF;
	s2 =	simm.s32 @!p0 $0x1C02  }
0xa2: {  	[timem:s3], [sflag:s2] =	dma.local @!p0 [hbm:s0], s1  }
0xa3: {  	s0 =	simm.s32 @!p0 $0x2  }
0xa4: {  	_ =	swait.ge @!p0 [sflag:s0], s1  }
0xa5: {  	s1 =	ssub.s32 @!p0 $0x0, s1;
	[sflag:s0] =	ssyncset.done @!p0 $0x0  }
0xa6: {  	[sflag:s0] =	ssyncadd.s32 @!p0 s1  }
0xa7: {  	[bflag:$0x3] =	sbarrier.arrive $0xFFFF  }
0xa8: {  	_ =	shalt  }

</sc_bundles>
